<compile_context>
chip_gen: v7x
topology: tpu7x:2x2x1
jax: 0.10.2.dev20260603
libtpu: 0.0.44.dev20260713+nightly
codegen_flags: <defaults>
</compile_context>

<pallas_src>
import dataclasses
import functools

import jax
import jax.numpy as jnp
from jax import lax
from jax.experimental import pallas as pl
from jax.experimental.pallas import tpu as pltpu
from jax.experimental.pallas import tpu_sc as plsc

_TOKENS_PER_BLOCK = 2048
_N_EXP = 8


def _logits_block(x_ref, w_ref, b_ref, lt_ref):
    logits = jax.lax.dot_general(
        x_ref[...], w_ref[...], (((1,), (1,)), ((), ())),
        preferred_element_type=jnp.float32,
        precision=jax.lax.Precision.DEFAULT,
    )
    lt_ref[...] = logits.T + b_ref[...].T


def _tc_logits(x, W, b2, T, D):
    tb = _TOKENS_PER_BLOCK
    return pl.pallas_call(
        _logits_block,
        grid=(T // tb,),
        in_specs=[
            pl.BlockSpec((tb, D), lambda i: (i, 0)),
            pl.BlockSpec((_N_EXP, D), lambda i: (0, 0)),
            pl.BlockSpec((1, _N_EXP), lambda i: (0, 0)),
        ],
        out_specs=pl.BlockSpec((_N_EXP, tb), lambda i: (0, i)),
        out_shape=jax.ShapeDtypeStruct((_N_EXP, T), jnp.float32),
    )(x, W, b2)


def _route_sc_kernel(lt_hbm, tw_hbm, ti_hbm, part_hbm,
                     l_v, tw_v, ti_v, p_v):
    ch = l_v.shape[1]
    wid = lax.axis_index("s") * 2 + lax.axis_index("c")
    base = wid * ch
    pltpu.sync_copy(lt_hbm.at[:, pl.ds(base, ch)], l_v)

    iota16 = lax.iota(jnp.int32, 16)
    zero = jnp.zeros((16,), jnp.float32)

    def body(j, carry):
        a1, a2, aw = carry
        sl = pl.ds(j * 16, 16)
        ls = [l_v[e, sl] for e in range(_N_EXP)]
        m = ls[0]
        for e in range(1, _N_EXP):
            m = jnp.maximum(m, ls[e])
        es = [jnp.exp(ls[e] - m) for e in range(_N_EXP)]
        z = es[0]
        for e in range(1, _N_EXP):
            z = z + es[e]
        v1 = es[0]
        i1 = jnp.zeros((16,), jnp.int32)
        for e in range(1, _N_EXP):
            gt = es[e] > v1
            v1 = jnp.where(gt, es[e], v1)
            i1 = jnp.where(gt, e, i1)
        ms = [jnp.where(i1 == e, -jnp.inf, es[e]) for e in range(_N_EXP)]
        v2 = ms[0]
        i2 = jnp.zeros((16,), jnp.int32)
        for e in range(1, _N_EXP):
            gt = ms[e] > v2
            v2 = jnp.where(gt, ms[e], v2)
            i2 = jnp.where(gt, e, i2)
        inv = 1.0 / (v1 + v2 + 1e-8 * z)
        g1 = v1 * inv
        g2 = v2 * inv
        pos = j * 32 + iota16 * 2
        plsc.store_scatter(tw_v, [pos], g1)
        plsc.store_scatter(tw_v, [pos + 1], g2)
        plsc.store_scatter(ti_v, [pos], i1)
        plsc.store_scatter(ti_v, [pos + 1], i2)
        return (a1 + i1.astype(jnp.float32), a2 + i2.astype(jnp.float32),
                aw + g1 + g2)

    a1, a2, aw = lax.fori_loop(0, ch // 16, body, (zero, zero, zero))
    p_v[0, :] = a1
    p_v[1, :] = a2
    p_v[2, :] = aw
    pltpu.sync_copy(tw_v, tw_hbm.at[pl.ds(2 * base, 2 * ch)])
    pltpu.sync_copy(ti_v, ti_hbm.at[pl.ds(2 * base, 2 * ch)])
    pltpu.sync_copy(p_v, part_hbm.at[wid])


def kernel(hidden_states, W, b):
    B, S, D = hidden_states.shape
    T = B * S
    x = hidden_states.reshape(T, D)
    b2 = b.reshape(1, _N_EXP)
    lt = _tc_logits(x, W, b2, T, D)

    mesh = plsc.VectorSubcoreMesh(core_axis_name="c", subcore_axis_name="s")
    ch = T // 32
    cp = pltpu.CompilerParams()
    if "needs_layout_passes" in pltpu.CompilerParams.__dataclass_fields__:
        cp = dataclasses.replace(cp, needs_layout_passes=False)
    route = pl.kernel(
        _route_sc_kernel,
        mesh=mesh,
        compiler_params=cp,
        out_type=[
            jax.ShapeDtypeStruct((2 * T,), jnp.float32),
            jax.ShapeDtypeStruct((2 * T,), jnp.int32),
            jax.ShapeDtypeStruct((32, 3, 16), jnp.float32),
        ],
        scratch_types=[
            pltpu.VMEM((_N_EXP, ch), jnp.float32),
            pltpu.VMEM((2 * ch,), jnp.float32),
            pltpu.VMEM((2 * ch,), jnp.int32),
            pltpu.VMEM((3, 16), jnp.float32),
        ],
    )
    twf, tif, parts = route(lt)
    top_k_weights = twf.reshape(B, S, 2)
    top_k_indices = tif.reshape(B, S, 2)
    sums = jnp.sum(parts, axis=(0, 2))
    expert_usage = sums[:2] / T
    avg_router_confidence = sums[2] / (T * 2)
    return (top_k_weights, top_k_indices, expert_usage, avg_router_confidence)

# --- scband reference (transcript-rebuilt; emitter-appended) ---
"""Pipeline reference for scband-expert-router-68539088109737 (READ-ONLY COPY).

The authoritative reference and input builder live on the scoring server;
editing this copy changes nothing except your own understanding.
"""

import jax, jax.numpy as jnp
import numpy as np

D_MODEL = 1024
N_EXPERTS = 8
TOP_K = 2


def setup_inputs(seed: int = 0) -> dict:
    key = jax.random.key(seed)
    k1, k2, k3 = jax.random.split(key, 3)
    hidden_states = jax.random.normal(k1, (4, 8192, D_MODEL), dtype=jnp.float32)
    # nn.Linear(d_model, n_experts): weight [n_experts, d_model], bias [n_experts]
    bound = 1.0 / np.sqrt(D_MODEL)
    W = jax.random.uniform(k2, (N_EXPERTS, D_MODEL), dtype=jnp.float32, minval=-bound, maxval=bound)
    b = jax.random.uniform(k3, (N_EXPERTS,), dtype=jnp.float32, minval=-bound, maxval=bound)
    return {"hidden_states": hidden_states, "W": W, "b": b}


def reference(hidden_states, W, b):
    # router_logits = Linear(hidden_states)
    router_logits = jnp.einsum('bsd,ed->bse', hidden_states, W) + b
    expert_weights = jax.nn.softmax(router_logits, axis=-1)
    top_k_weights, top_k_indices = jax.lax.top_k(expert_weights, TOP_K)
    top_k_weights = top_k_weights / (jnp.sum(top_k_weights, axis=-1, keepdims=True) + 1e-08)
    # router_info statistics (eval mode: no load-balancing loss)
    expert_usage = jnp.mean(top_k_indices.astype(jnp.float32), axis=(0, 1))
    avg_router_confidence = jnp.mean(top_k_weights)
    return (top_k_weights, top_k_indices, expert_usage, avg_router_confidence)

if __name__ == "__main__":
    import jax
    _d = setup_inputs()
    print(jax.jit(kernel)(*tuple(_d.values())))

</pallas_src>

<mosaic_0001>
#map = affine_map<(d0, d1) -> (0, 0)>
#map1 = affine_map<(d0, d1) -> (0)>
#map2 = affine_map<(d0, d1) -> (0, 0, 0)>
module attributes {stable_mosaic.version = 14 : i64} {
  func.func @_route_sc_kernel(%arg0: i32, %arg1: i32, %arg2: memref<8x32768xf32, #tpu.memory_space<hbm>>, %arg3: memref<65536xf32, #tpu.memory_space<hbm>>, %arg4: memref<65536xi32, #tpu.memory_space<hbm>>, %arg5: memref<32x3x16xf32, #tpu.memory_space<hbm>>, %arg6: memref<8x1024xf32, #tpu.memory_space<vmem>>, %arg7: memref<2048xf32, #tpu.memory_space<vmem>>, %arg8: memref<2048xi32, #tpu.memory_space<vmem>>, %arg9: memref<3x16xf32, #tpu.memory_space<vmem>>) attributes {dimension_semantics = [#tpu.dimension_semantics<core_parallel>, #tpu.dimension_semantics<subcore_parallel>], iteration_bounds = array<i64: 2, 16>, scalar_prefetch = 0 : i64, scratch_operands = 4 : i64, tpu.core_type = #tpu.core_type<sc_vector_subcore>, window_params = [{transform_indices = #map}, {transform_indices = #map1}, {transform_indices = #map1}, {transform_indices = #map2}]} {
    %mul3A = arith.constant 2 : i32
    %mul3A_0 = arith.muli %arg1, %mul3A : i32
    %add3A = arith.addi %mul3A_0, %arg0 : i32
    %mul3A_1 = arith.constant 1024 : i32
    %mul3A_2 = arith.muli %add3A, %mul3A_1 : i32
    "tpu.region"() ({
      %run_scoped3A = tpu.sem_alloc : memref<!tpu.dma_semaphore, #tpu.memory_space<semaphore_mem>>
      %dma_start3A = arith.constant 0 : i32
      %dma_start3A_24 = tpu.memref_slice %arg2[%dma_start3A, %mul3A_2] : memref<8x32768xf32, #tpu.memory_space<hbm>> -> memref<8x1024xf32, #tpu.memory_space<hbm>>
      %dma_start3A_25 = arith.constant 0 : i32
      %dma_start3A_26 = tpu.memref_slice %arg2[%dma_start3A_25, %mul3A_2] : memref<8x32768xf32, #tpu.memory_space<hbm>> -> memref<8x1024xf32, #tpu.memory_space<hbm>>
      tpu.enqueue_dma source(%dma_start3A_26 : memref<8x1024xf32, #tpu.memory_space<hbm>>) target(%arg6 : memref<8x1024xf32, #tpu.memory_space<vmem>>) target_semaphore(%run_scoped3A : memref<!tpu.dma_semaphore, #tpu.memory_space<semaphore_mem>>)
      %dma_wait3A = arith.constant 0 : i32
      %dma_wait3A_27 = tpu.memref_slice %arg2[%dma_wait3A, %mul3A_2] : memref<8x32768xf32, #tpu.memory_space<hbm>> -> memref<8x1024xf32, #tpu.memory_space<hbm>>
      %dma_wait3A_28 = arith.constant 0 : i32
      %dma_wait3A_29 = tpu.memref_slice %arg2[%dma_wait3A_28, %mul3A_2] : memref<8x32768xf32, #tpu.memory_space<hbm>> -> memref<8x1024xf32, #tpu.memory_space<hbm>>
      tpu.wait_dma2 semaphore(%run_scoped3A : memref<!tpu.dma_semaphore, #tpu.memory_space<semaphore_mem>>) src(%dma_wait3A_29 : memref<8x1024xf32, #tpu.memory_space<hbm>>) dst(%arg6 : memref<8x1024xf32, #tpu.memory_space<vmem>>)
      tpu.yield
    }) : () -> ()
    %iota3A = tpu.iota {dimensions = array<i32: 0>} : vector<16xi32>
    %broadcast_in_dim3A = arith.constant 0.000000e+00 : f32
    %broadcast_in_dim3A_3 = vector.broadcast %broadcast_in_dim3A : f32 to vector<16xf32>
    %scan3A = arith.constant 0 : i32
    %scan3A_4 = arith.constant 64 : i32
    %scan3A_5 = arith.addi %scan3A, %scan3A_4 : i32
    %scan3A_6 = arith.constant 1 : i32
    %scan3A_7:3 = scf.for %scan3A_24 = %scan3A to %scan3A_5 step %scan3A_6 iter_args(%scan3A_25 = %broadcast_in_dim3A_3, %scan3A_26 = %broadcast_in_dim3A_3, %scan3A_27 = %broadcast_in_dim3A_3) -> (vector<16xf32>, vector<16xf32>, vector<16xf32>)  : i32 {
      %mul3A_28 = arith.constant 16 : i32
      %mul3A_29 = arith.muli %scan3A_24, %mul3A_28 : i32
      %get3A = arith.constant 0 : i32
      %get3A_30 = arith.index_cast %get3A : i32 to index
      %get3A_31 = arith.index_cast %mul3A_29 : i32 to index
      %get3A_32 = tpu.vector_load %arg6[%get3A_30, %get3A_31] {strides = array<i32>} : memref<8x1024xf32, #tpu.memory_space<vmem>>, vector<16xf32>,
      %get3A_33 = arith.constant 1 : i32
      %get3A_34 = arith.index_cast %get3A_33 : i32 to index
      %get3A_35 = arith.index_cast %mul3A_29 : i32 to index
      %get3A_36 = tpu.vector_load %arg6[%get3A_34, %get3A_35] {strides = array<i32>} : memref<8x1024xf32, #tpu.memory_space<vmem>>, vector<16xf32>,
      %get3A_37 = arith.constant 2 : i32
      %get3A_38 = arith.index_cast %get3A_37 : i32 to index
      %get3A_39 = arith.index_cast %mul3A_29 : i32 to index
      %get3A_40 = tpu.vector_load %arg6[%get3A_38, %get3A_39] {strides = array<i32>} : memref<8x1024xf32, #tpu.memory_space<vmem>>, vector<16xf32>,
      %get3A_41 = arith.constant 3 : i32
      %get3A_42 = arith.index_cast %get3A_41 : i32 to index
      %get3A_43 = arith.index_cast %mul3A_29 : i32 to index
      %get3A_44 = tpu.vector_load %arg6[%get3A_42, %get3A_43] {strides = array<i32>} : memref<8x1024xf32, #tpu.memory_space<vmem>>, vector<16xf32>,
      %get3A_45 = arith.constant 4 : i32
      %get3A_46 = arith.index_cast %get3A_45 : i32 to index
      %get3A_47 = arith.index_cast %mul3A_29 : i32 to index
      %get3A_48 = tpu.vector_load %arg6[%get3A_46, %get3A_47] {strides = array<i32>} : memref<8x1024xf32, #tpu.memory_space<vmem>>, vector<16xf32>,
      %get3A_49 = arith.constant 5 : i32
      %get3A_50 = arith.index_cast %get3A_49 : i32 to index
      %get3A_51 = arith.index_cast %mul3A_29 : i32 to index
      %get3A_52 = tpu.vector_load %arg6[%get3A_50, %get3A_51] {strides = array<i32>} : memref<8x1024xf32, #tpu.memory_space<vmem>>, vector<16xf32>,
      %get3A_53 = arith.constant 6 : i32
      %get3A_54 = arith.index_cast %get3A_53 : i32 to index
      %get3A_55 = arith.index_cast %mul3A_29 : i32 to index
      %get3A_56 = tpu.vector_load %arg6[%get3A_54, %get3A_55] {strides = array<i32>} : memref<8x1024xf32, #tpu.memory_space<vmem>>, vector<16xf32>,
      %get3A_57 = arith.constant 7 : i32
      %get3A_58 = arith.index_cast %get3A_57 : i32 to index
      %get3A_59 = arith.index_cast %mul3A_29 : i32 to index
      %get3A_60 = tpu.vector_load %arg6[%get3A_58, %get3A_59] {strides = array<i32>} : memref<8x1024xf32, #tpu.memory_space<vmem>>, vector<16xf32>,
      %max3A = arith.maximumf %get3A_32, %get3A_36 : vector<16xf32>
      %max3A_61 = arith.maximumf %max3A, %get3A_40 : vector<16xf32>
      %max3A_62 = arith.maximumf %max3A_61, %get3A_44 : vector<16xf32>
      %max3A_63 = arith.maximumf %max3A_62, %get3A_48 : vector<16xf32>
      %max3A_64 = arith.maximumf %max3A_63, %get3A_52 : vector<16xf32>
      %max3A_65 = arith.maximumf %max3A_64, %get3A_56 : vector<16xf32>
      %max3A_66 = arith.maximumf %max3A_65, %get3A_60 : vector<16xf32>
      %sub3A = arith.subf %get3A_32, %max3A_66 : vector<16xf32>
      %exp3A = math.exp %sub3A : vector<16xf32>
      %sub3A_67 = arith.subf %get3A_36, %max3A_66 : vector<16xf32>
      %exp3A_68 = math.exp %sub3A_67 : vector<16xf32>
      %sub3A_69 = arith.subf %get3A_40, %max3A_66 : vector<16xf32>
      %exp3A_70 = math.exp %sub3A_69 : vector<16xf32>
      %sub3A_71 = arith.subf %get3A_44, %max3A_66 : vector<16xf32>
      %exp3A_72 = math.exp %sub3A_71 : vector<16xf32>
      %sub3A_73 = arith.subf %get3A_48, %max3A_66 : vector<16xf32>
      %exp3A_74 = math.exp %sub3A_73 : vector<16xf32>
      %sub3A_75 = arith.subf %get3A_52, %max3A_66 : vector<16xf32>
      %exp3A_76 = math.exp %sub3A_75 : vector<16xf32>
      %sub3A_77 = arith.subf %get3A_56, %max3A_66 : vector<16xf32>
      %exp3A_78 = math.exp %sub3A_77 : vector<16xf32>
      %sub3A_79 = arith.subf %get3A_60, %max3A_66 : vector<16xf32>
      %exp3A_80 = math.exp %sub3A_79 : vector<16xf32>
      %add3A_81 = arith.addf %exp3A, %exp3A_68 : vector<16xf32>
      %add3A_82 = arith.addf %add3A_81, %exp3A_70 : vector<16xf32>
      %add3A_83 = arith.addf %add3A_82, %exp3A_72 : vector<16xf32>
      %add3A_84 = arith.addf %add3A_83, %exp3A_74 : vector<16xf32>
      %add3A_85 = arith.addf %add3A_84, %exp3A_76 : vector<16xf32>
      %add3A_86 = arith.addf %add3A_85, %exp3A_78 : vector<16xf32>
      %add3A_87 = arith.addf %add3A_86, %exp3A_80 : vector<16xf32>
      %broadcast_in_dim3A_88 = arith.constant 0 : i32
      %broadcast_in_dim3A_89 = vector.broadcast %broadcast_in_dim3A_88 : i32 to vector<16xi32>
      %gt3A = arith.cmpf ogt, %exp3A_68, %exp3A : vector<16xf32>
      %select_n3A = arith.select %gt3A, %exp3A_68, %exp3A : vector<16xi1>, vector<16xf32>
      %jit3A = arith.constant 1 : i32
      %broadcast_in_dim3A_90 = vector.broadcast %jit3A : i32 to vector<16xi32>
      %select_n3A_91 = arith.select %gt3A, %broadcast_in_dim3A_90, %broadcast_in_dim3A_89 : vector<16xi1>, vector<16xi32>
      %gt3A_92 = arith.cmpf ogt, %exp3A_70, %select_n3A : vector<16xf32>
      %select_n3A_93 = arith.select %gt3A_92, %exp3A_70, %select_n3A : vector<16xi1>, vector<16xf32>
      %jit3A_94 = arith.constant 2 : i32
      %broadcast_in_dim3A_95 = vector.broadcast %jit3A_94 : i32 to vector<16xi32>
      %select_n3A_96 = arith.select %gt3A_92, %broadcast_in_dim3A_95, %select_n3A_91 : vector<16xi1>, vector<16xi32>
      %gt3A_97 = arith.cmpf ogt, %exp3A_72, %select_n3A_93 : vector<16xf32>
      %select_n3A_98 = arith.select %gt3A_97, %exp3A_72, %select_n3A_93 : vector<16xi1>, vector<16xf32>
      %jit3A_99 = arith.constant 3 : i32
      %broadcast_in_dim3A_100 = vector.broadcast %jit3A_99 : i32 to vector<16xi32>
      %select_n3A_101 = arith.select %gt3A_97, %broadcast_in_dim3A_100, %select_n3A_96 : vector<16xi1>, vector<16xi32>
      %gt3A_102 = arith.cmpf ogt, %exp3A_74, %select_n3A_98 : vector<16xf32>
      %select_n3A_103 = arith.select %gt3A_102, %exp3A_74, %select_n3A_98 : vector<16xi1>, vector<16xf32>
      %jit3A_104 = arith.constant 4 : i32
      %broadcast_in_dim3A_105 = vector.broadcast %jit3A_104 : i32 to vector<16xi32>
      %select_n3A_106 = arith.select %gt3A_102, %broadcast_in_dim3A_105, %select_n3A_101 : vector<16xi1>, vector<16xi32>
      %gt3A_107 = arith.cmpf ogt, %exp3A_76, %select_n3A_103 : vector<16xf32>
      %select_n3A_108 = arith.select %gt3A_107, %exp3A_76, %select_n3A_103 : vector<16xi1>, vector<16xf32>
      %jit3A_109 = arith.constant 5 : i32
      %broadcast_in_dim3A_110 = vector.broadcast %jit3A_109 : i32 to vector<16xi32>
      %select_n3A_111 = arith.select %gt3A_107, %broadcast_in_dim3A_110, %select_n3A_106 : vector<16xi1>, vector<16xi32>
      %gt3A_112 = arith.cmpf ogt, %exp3A_78, %select_n3A_108 : vector<16xf32>
      %select_n3A_113 = arith.select %gt3A_112, %exp3A_78, %select_n3A_108 : vector<16xi1>, vector<16xf32>
      %jit3A_114 = arith.constant 6 : i32
      %broadcast_in_dim3A_115 = vector.broadcast %jit3A_114 : i32 to vector<16xi32>
      %select_n3A_116 = arith.select %gt3A_112, %broadcast_in_dim3A_115, %select_n3A_111 : vector<16xi1>, vector<16xi32>
      %gt3A_117 = arith.cmpf ogt, %exp3A_80, %select_n3A_113 : vector<16xf32>
      %select_n3A_118 = arith.select %gt3A_117, %exp3A_80, %select_n3A_113 : vector<16xi1>, vector<16xf32>
      %jit3A_119 = arith.constant 7 : i32
      %broadcast_in_dim3A_120 = vector.broadcast %jit3A_119 : i32 to vector<16xi32>
      %select_n3A_121 = arith.select %gt3A_117, %broadcast_in_dim3A_120, %select_n3A_116 : vector<16xi1>, vector<16xi32>
      %eq3A = arith.constant 0 : i32
      %eq3A_122 = vector.broadcast %eq3A : i32 to vector<16xi32>
      %eq3A_123 = arith.cmpi eq, %select_n3A_121, %eq3A_122 : vector<16xi32>
      %jit3A_124 = arith.constant 0xFF800000 : f32
      %broadcast_in_dim3A_125 = vector.broadcast %jit3A_124 : f32 to vector<16xf32>
      %select_n3A_126 = arith.select %eq3A_123, %broadcast_in_dim3A_125, %exp3A : vector<16xi1>, vector<16xf32>
      %eq3A_127 = arith.constant 1 : i32
      %eq3A_128 = vector.broadcast %eq3A_127 : i32 to vector<16xi32>
      %eq3A_129 = arith.cmpi eq, %select_n3A_121, %eq3A_128 : vector<16xi32>
      %jit3A_130 = arith.constant 0xFF800000 : f32
      %broadcast_in_dim3A_131 = vector.broadcast %jit3A_130 : f32 to vector<16xf32>
      %select_n3A_132 = arith.select %eq3A_129, %broadcast_in_dim3A_131, %exp3A_68 : vector<16xi1>, vector<16xf32>
      %eq3A_133 = arith.constant 2 : i32
      %eq3A_134 = vector.broadcast %eq3A_133 : i32 to vector<16xi32>
      %eq3A_135 = arith.cmpi eq, %select_n3A_121, %eq3A_134 : vector<16xi32>
      %jit3A_136 = arith.constant 0xFF800000 : f32
      %broadcast_in_dim3A_137 = vector.broadcast %jit3A_136 : f32 to vector<16xf32>
      %select_n3A_138 = arith.select %eq3A_135, %broadcast_in_dim3A_137, %exp3A_70 : vector<16xi1>, vector<16xf32>
      %eq3A_139 = arith.constant 3 : i32
      %eq3A_140 = vector.broadcast %eq3A_139 : i32 to vector<16xi32>
      %eq3A_141 = arith.cmpi eq, %select_n3A_121, %eq3A_140 : vector<16xi32>
      %jit3A_142 = arith.constant 0xFF800000 : f32
      %broadcast_in_dim3A_143 = vector.broadcast %jit3A_142 : f32 to vector<16xf32>
      %select_n3A_144 = arith.select %eq3A_141, %broadcast_in_dim3A_143, %exp3A_72 : vector<16xi1>, vector<16xf32>
      %eq3A_145 = arith.constant 4 : i32
      %eq3A_146 = vector.broadcast %eq3A_145 : i32 to vector<16xi32>
      %eq3A_147 = arith.cmpi eq, %select_n3A_121, %eq3A_146 : vector<16xi32>
      %jit3A_148 = arith.constant 0xFF800000 : f32
      %broadcast_in_dim3A_149 = vector.broadcast %jit3A_148 : f32 to vector<16xf32>
      %select_n3A_150 = arith.select %eq3A_147, %broadcast_in_dim3A_149, %exp3A_74 : vector<16xi1>, vector<16xf32>
      %eq3A_151 = arith.constant 5 : i32
      %eq3A_152 = vector.broadcast %eq3A_151 : i32 to vector<16xi32>
      %eq3A_153 = arith.cmpi eq, %select_n3A_121, %eq3A_152 : vector<16xi32>
      %jit3A_154 = arith.constant 0xFF800000 : f32
      %broadcast_in_dim3A_155 = vector.broadcast %jit3A_154 : f32 to vector<16xf32>
      %select_n3A_156 = arith.select %eq3A_153, %broadcast_in_dim3A_155, %exp3A_76 : vector<16xi1>, vector<16xf32>
      %eq3A_157 = arith.constant 6 : i32
      %eq3A_158 = vector.broadcast %eq3A_157 : i32 to vector<16xi32>
      %eq3A_159 = arith.cmpi eq, %select_n3A_121, %eq3A_158 : vector<16xi32>
      %jit3A_160 = arith.constant 0xFF800000 : f32
      %broadcast_in_dim3A_161 = vector.broadcast %jit3A_160 : f32 to vector<16xf32>
      %select_n3A_162 = arith.select %eq3A_159, %broadcast_in_dim3A_161, %exp3A_78 : vector<16xi1>, vector<16xf32>
      %eq3A_163 = arith.constant 7 : i32
      %eq3A_164 = vector.broadcast %eq3A_163 : i32 to vector<16xi32>
      %eq3A_165 = arith.cmpi eq, %select_n3A_121, %eq3A_164 : vector<16xi32>
      %jit3A_166 = arith.constant 0xFF800000 : f32
      %broadcast_in_dim3A_167 = vector.broadcast %jit3A_166 : f32 to vector<16xf32>
      %select_n3A_168 = arith.select %eq3A_165, %broadcast_in_dim3A_167, %exp3A_80 : vector<16xi1>, vector<16xf32>
      %broadcast_in_dim3A_169 = arith.constant 0 : i32
      %broadcast_in_dim3A_170 = vector.broadcast %broadcast_in_dim3A_169 : i32 to vector<16xi32>
      %gt3A_171 = arith.cmpf ogt, %select_n3A_132, %select_n3A_126 : vector<16xf32>
      %select_n3A_172 = arith.select %gt3A_171, %select_n3A_132, %select_n3A_126 : vector<16xi1>, vector<16xf32>
      %jit3A_173 = arith.constant 1 : i32
      %broadcast_in_dim3A_174 = vector.broadcast %jit3A_173 : i32 to vector<16xi32>
      %select_n3A_175 = arith.select %gt3A_171, %broadcast_in_dim3A_174, %broadcast_in_dim3A_170 : vector<16xi1>, vector<16xi32>
      %gt3A_176 = arith.cmpf ogt, %select_n3A_138, %select_n3A_172 : vector<16xf32>
      %select_n3A_177 = arith.select %gt3A_176, %select_n3A_138, %select_n3A_172 : vector<16xi1>, vector<16xf32>
      %jit3A_178 = arith.constant 2 : i32
      %broadcast_in_dim3A_179 = vector.broadcast %jit3A_178 : i32 to vector<16xi32>
      %select_n3A_180 = arith.select %gt3A_176, %broadcast_in_dim3A_179, %select_n3A_175 : vector<16xi1>, vector<16xi32>
      %gt3A_181 = arith.cmpf ogt, %select_n3A_144, %select_n3A_177 : vector<16xf32>
      %select_n3A_182 = arith.select %gt3A_181, %select_n3A_144, %select_n3A_177 : vector<16xi1>, vector<16xf32>
      %jit3A_183 = arith.constant 3 : i32
      %broadcast_in_dim3A_184 = vector.broadcast %jit3A_183 : i32 to vector<16xi32>
      %select_n3A_185 = arith.select %gt3A_181, %broadcast_in_dim3A_184, %select_n3A_180 : vector<16xi1>, vector<16xi32>
      %gt3A_186 = arith.cmpf ogt, %select_n3A_150, %select_n3A_182 : vector<16xf32>
      %select_n3A_187 = arith.select %gt3A_186, %select_n3A_150, %select_n3A_182 : vector<16xi1>, vector<16xf32>
      %jit3A_188 = arith.constant 4 : i32
      %broadcast_in_dim3A_189 = vector.broadcast %jit3A_188 : i32 to vector<16xi32>
      %select_n3A_190 = arith.select %gt3A_186, %broadcast_in_dim3A_189, %select_n3A_185 : vector<16xi1>, vector<16xi32>
      %gt3A_191 = arith.cmpf ogt, %select_n3A_156, %select_n3A_187 : vector<16xf32>
      %select_n3A_192 = arith.select %gt3A_191, %select_n3A_156, %select_n3A_187 : vector<16xi1>, vector<16xf32>
      %jit3A_193 = arith.constant 5 : i32
      %broadcast_in_dim3A_194 = vector.broadcast %jit3A_193 : i32 to vector<16xi32>
      %select_n3A_195 = arith.select %gt3A_191, %broadcast_in_dim3A_194, %select_n3A_190 : vector<16xi1>, vector<16xi32>
      %gt3A_196 = arith.cmpf ogt, %select_n3A_162, %select_n3A_192 : vector<16xf32>
      %select_n3A_197 = arith.select %gt3A_196, %select_n3A_162, %select_n3A_192 : vector<16xi1>, vector<16xf32>
      %jit3A_198 = arith.constant 6 : i32
      %broadcast_in_dim3A_199 = vector.broadcast %jit3A_198 : i32 to vector<16xi32>
      %select_n3A_200 = arith.select %gt3A_196, %broadcast_in_dim3A_199, %select_n3A_195 : vector<16xi1>, vector<16xi32>
      %gt3A_201 = arith.cmpf ogt, %select_n3A_168, %select_n3A_197 : vector<16xf32>
      %select_n3A_202 = arith.select %gt3A_201, %select_n3A_168, %select_n3A_197 : vector<16xi1>, vector<16xf32>
      %jit3A_203 = arith.constant 7 : i32
      %broadcast_in_dim3A_204 = vector.broadcast %jit3A_203 : i32 to vector<16xi32>
      %select_n3A_205 = arith.select %gt3A_201, %broadcast_in_dim3A_204, %select_n3A_200 : vector<16xi1>, vector<16xi32>
      %add3A_206 = arith.addf %select_n3A_118, %select_n3A_202 : vector<16xf32>
      %mul3A_207 = arith.constant 9.99999993E-9 : f32
      %mul3A_208 = vector.broadcast %mul3A_207 : f32 to vector<16xf32>
      %mul3A_209 = arith.mulf %mul3A_208, %add3A_87 : vector<16xf32>
      %add3A_210 = arith.addf %add3A_206, %mul3A_209 : vector<16xf32>
      %div3A = arith.constant 1.000000e+00 : f32
      %div3A_211 = vector.broadcast %div3A : f32 to vector<16xf32>
      %div3A_212 = arith.divf %div3A_211, %add3A_210 : vector<16xf32>
      %mul3A_213 = arith.mulf %select_n3A_118, %div3A_212 : vector<16xf32>
      %mul3A_214 = arith.mulf %select_n3A_202, %div3A_212 : vector<16xf32>
      %mul3A_215 = arith.constant 32 : i32
      %mul3A_216 = arith.muli %scan3A_24, %mul3A_215 : i32
      %mul3A_217 = arith.constant 2 : i32
      %mul3A_218 = vector.broadcast %mul3A_217 : i32 to vector<16xi32>
      %mul3A_219 = arith.muli %iota3A, %mul3A_218 : vector<16xi32>
      %add3A_220 = vector.broadcast %mul3A_216 : i32 to vector<16xi32>
      %add3A_221 = arith.addi %add3A_220, %mul3A_219 : vector<16xi32>
      tpu.vector_store_idx %arg7[%add3A_221], %mul3A_213 : memref<2048xf32, #tpu.memory_space<vmem>>[vector<16xi32>], vector<16xf32>,
      %add3A_222 = arith.constant 1 : i32
      %add3A_223 = vector.broadcast %add3A_222 : i32 to vector<16xi32>
      %add3A_224 = arith.addi %add3A_221, %add3A_223 : vector<16xi32>
      tpu.vector_store_idx %arg7[%add3A_224], %mul3A_214 : memref<2048xf32, #tpu.memory_space<vmem>>[vector<16xi32>], vector<16xf32>,
      tpu.vector_store_idx %arg8[%add3A_221], %select_n3A_121 : memref<2048xi32, #tpu.memory_space<vmem>>[vector<16xi32>], vector<16xi32>,
      %add3A_225 = arith.constant 1 : i32
      %add3A_226 = vector.broadcast %add3A_225 : i32 to vector<16xi32>
      %add3A_227 = arith.addi %add3A_221, %add3A_226 : vector<16xi32>
      tpu.vector_store_idx %arg8[%add3A_227], %select_n3A_205 : memref<2048xi32, #tpu.memory_space<vmem>>[vector<16xi32>], vector<16xi32>,
      %convert_element_type3A = arith.sitofp %select_n3A_121 : vector<16xi32> to vector<16xf32>
      %add3A_228 = arith.addf %scan3A_25, %convert_element_type3A : vector<16xf32>
      %convert_element_type3A_229 = arith.sitofp %select_n3A_205 : vector<16xi32> to vector<16xf32>
      %add3A_230 = arith.addf %scan3A_26, %convert_element_type3A_229 : vector<16xf32>
      %add3A_231 = arith.addf %scan3A_27, %mul3A_213 : vector<16xf32>
      %add3A_232 = arith.addf %add3A_231, %mul3A_214 : vector<16xf32>
      scf.yield %add3A_228, %add3A_230, %add3A_232 : vector<16xf32>, vector<16xf32>, vector<16xf32>
    }
    %scan3A_8 = arith.constant 64 : i32
    %swap3A = arith.constant 0 : i32
    %swap3A_9 = arith.index_cast %swap3A : i32 to index
    %swap3A_10 = arith.constant 0 : index
    %swap3A_11 = tpu.vector_load %arg9[%swap3A_9, %swap3A_10] {strides = array<i32>} : memref<3x16xf32, #tpu.memory_space<vmem>>, vector<16xf32>,
    tpu.vector_store %arg9[%swap3A_9, %swap3A_10], %scan3A_7#0 {strides = array<i32>} : memref<3x16xf32, #tpu.memory_space<vmem>>, vector<16xf32>,
    %swap3A_12 = arith.constant 1 : i32
    %swap3A_13 = arith.index_cast %swap3A_12 : i32 to index
    %swap3A_14 = arith.constant 0 : index
    %swap3A_15 = tpu.vector_load %arg9[%swap3A_13, %swap3A_14] {strides = array<i32>} : memref<3x16xf32, #tpu.memory_space<vmem>>, vector<16xf32>,
    tpu.vector_store %arg9[%swap3A_13, %swap3A_14], %scan3A_7#1 {strides = array<i32>} : memref<3x16xf32, #tpu.memory_space<vmem>>, vector<16xf32>,
    %swap3A_16 = arith.constant 2 : i32
    %swap3A_17 = arith.index_cast %swap3A_16 : i32 to index
    %swap3A_18 = arith.constant 0 : index
    %swap3A_19 = tpu.vector_load %arg9[%swap3A_17, %swap3A_18] {strides = array<i32>} : memref<3x16xf32, #tpu.memory_space<vmem>>, vector<16xf32>,
    tpu.vector_store %arg9[%swap3A_17, %swap3A_18], %scan3A_7#2 {strides = array<i32>} : memref<3x16xf32, #tpu.memory_space<vmem>>, vector<16xf32>,
    %mul3A_20 = arith.constant 2 : i32
    %mul3A_21 = arith.muli %mul3A_20, %mul3A_2 : i32
    "tpu.region"() ({
      %run_scoped3A = tpu.sem_alloc : memref<!tpu.dma_semaphore, #tpu.memory_space<semaphore_mem>>
      %dma_start3A = tpu.memref_slice %arg3[%mul3A_21] : memref<65536xf32, #tpu.memory_space<hbm>> -> memref<2048xf32, #tpu.memory_space<hbm>>
      %dma_start3A_24 = tpu.memref_slice %arg3[%mul3A_21] : memref<65536xf32, #tpu.memory_space<hbm>> -> memref<2048xf32, #tpu.memory_space<hbm>>
      tpu.enqueue_dma source(%arg7 : memref<2048xf32, #tpu.memory_space<vmem>>) target(%dma_start3A_24 : memref<2048xf32, #tpu.memory_space<hbm>>) target_semaphore(%run_scoped3A : memref<!tpu.dma_semaphore, #tpu.memory_space<semaphore_mem>>)
      %dma_wait3A = tpu.memref_slice %arg3[%mul3A_21] : memref<65536xf32, #tpu.memory_space<hbm>> -> memref<2048xf32, #tpu.memory_space<hbm>>
      %dma_wait3A_25 = tpu.memref_slice %arg3[%mul3A_21] : memref<65536xf32, #tpu.memory_space<hbm>> -> memref<2048xf32, #tpu.memory_space<hbm>>
      tpu.wait_dma2 semaphore(%run_scoped3A : memref<!tpu.dma_semaphore, #tpu.memory_space<semaphore_mem>>) src(%arg7 : memref<2048xf32, #tpu.memory_space<vmem>>) dst(%dma_wait3A_25 : memref<2048xf32, #tpu.memory_space<hbm>>)
      tpu.yield
    }) : () -> ()
    %mul3A_22 = arith.constant 2 : i32
    %mul3A_23 = arith.muli %mul3A_22, %mul3A_2 : i32
    "tpu.region"() ({
      %run_scoped3A = tpu.sem_alloc : memref<!tpu.dma_semaphore, #tpu.memory_space<semaphore_mem>>
      %dma_start3A = tpu.memref_slice %arg4[%mul3A_23] : memref<65536xi32, #tpu.memory_space<hbm>> -> memref<2048xi32, #tpu.memory_space<hbm>>
      %dma_start3A_24 = tpu.memref_slice %arg4[%mul3A_23] : memref<65536xi32, #tpu.memory_space<hbm>> -> memref<2048xi32, #tpu.memory_space<hbm>>
      tpu.enqueue_dma source(%arg8 : memref<2048xi32, #tpu.memory_space<vmem>>) target(%dma_start3A_24 : memref<2048xi32, #tpu.memory_space<hbm>>) target_semaphore(%run_scoped3A : memref<!tpu.dma_semaphore, #tpu.memory_space<semaphore_mem>>)
      %dma_wait3A = tpu.memref_slice %arg4[%mul3A_23] : memref<65536xi32, #tpu.memory_space<hbm>> -> memref<2048xi32, #tpu.memory_space<hbm>>
      %dma_wait3A_25 = tpu.memref_slice %arg4[%mul3A_23] : memref<65536xi32, #tpu.memory_space<hbm>> -> memref<2048xi32, #tpu.memory_space<hbm>>
      tpu.wait_dma2 semaphore(%run_scoped3A : memref<!tpu.dma_semaphore, #tpu.memory_space<semaphore_mem>>) src(%arg8 : memref<2048xi32, #tpu.memory_space<vmem>>) dst(%dma_wait3A_25 : memref<2048xi32, #tpu.memory_space<hbm>>)
      tpu.yield
    }) : () -> ()
    "tpu.region"() ({
      %run_scoped3A = tpu.sem_alloc : memref<!tpu.dma_semaphore, #tpu.memory_space<semaphore_mem>>
      %dma_start3A = arith.constant 0 : i32
      %dma_start3A_24 = arith.constant 0 : i32
      %dma_start3A_25 = tpu.memref_slice %arg5[%add3A, %dma_start3A, %dma_start3A_24] : memref<32x3x16xf32, #tpu.memory_space<hbm>> -> memref<1x3x16xf32, #tpu.memory_space<hbm>>
      %dma_start3A_26 = tpu.memref_squeeze %dma_start3A_25 : memref<1x3x16xf32, #tpu.memory_space<hbm>> -> memref<3x16xf32, #tpu.memory_space<hbm>>
      %dma_start3A_27 = arith.constant 0 : i32
      %dma_start3A_28 = arith.constant 0 : i32
      %dma_start3A_29 = tpu.memref_slice %arg5[%add3A, %dma_start3A_27, %dma_start3A_28] : memref<32x3x16xf32, #tpu.memory_space<hbm>> -> memref<1x3x16xf32, #tpu.memory_space<hbm>>
      %dma_start3A_30 = tpu.memref_squeeze %dma_start3A_29 : memref<1x3x16xf32, #tpu.memory_space<hbm>> -> memref<3x16xf32, #tpu.memory_space<hbm>>
      tpu.enqueue_dma source(%arg9 : memref<3x16xf32, #tpu.memory_space<vmem>>) target(%dma_start3A_30 : memref<3x16xf32, #tpu.memory_space<hbm>>) target_semaphore(%run_scoped3A : memref<!tpu.dma_semaphore, #tpu.memory_space<semaphore_mem>>)
      %dma_wait3A = arith.constant 0 : i32
      %dma_wait3A_31 = arith.constant 0 : i32
      %dma_wait3A_32 = tpu.memref_slice %arg5[%add3A, %dma_wait3A, %dma_wait3A_31] : memref<32x3x16xf32, #tpu.memory_space<hbm>> -> memref<1x3x16xf32, #tpu.memory_space<hbm>>
      %dma_wait3A_33 = tpu.memref_squeeze %dma_wait3A_32 : memref<1x3x16xf32, #tpu.memory_space<hbm>> -> memref<3x16xf32, #tpu.memory_space<hbm>>
      %dma_wait3A_34 = arith.constant 0 : i32
      %dma_wait3A_35 = arith.constant 0 : i32
      %dma_wait3A_36 = tpu.memref_slice %arg5[%add3A, %dma_wait3A_34, %dma_wait3A_35] : memref<32x3x16xf32, #tpu.memory_space<hbm>> -> memref<1x3x16xf32, #tpu.memory_space<hbm>>
      %dma_wait3A_37 = tpu.memref_squeeze %dma_wait3A_36 : memref<1x3x16xf32, #tpu.memory_space<hbm>> -> memref<3x16xf32, #tpu.memory_space<hbm>>
      tpu.wait_dma2 semaphore(%run_scoped3A : memref<!tpu.dma_semaphore, #tpu.memory_space<semaphore_mem>>) src(%arg9 : memref<3x16xf32, #tpu.memory_space<vmem>>) dst(%dma_wait3A_37 : memref<3x16xf32, #tpu.memory_space<hbm>>)
      tpu.yield
    }) : () -> ()
    return
  }
}

module attributes {stable_mosaic.version = 14 : i64} {
  func.func @_logits_block(%arg0: i32, %arg1: memref<2048x1024xf32, #tpu.memory_space<vmem>>, %arg2: memref<8x1024xf32, #tpu.memory_space<vmem>>, %arg3: memref<1x8xf32, #tpu.memory_space<vmem>>, %arg4: memref<8x2048xf32, #tpu.memory_space<vmem>>) attributes {dimension_semantics = [#tpu.dimension_semantics<arbitrary>], iteration_bounds = array<i64: 16>, scalar_prefetch = 0 : i64, scratch_operands = 0 : i64, tpu.core_type = #tpu.core_type<tc>, window_params = [{transform_indices = @transform_0, window_bounds = array<i64: 2048, 1024>}, {pipeline_mode = #tpu.pipeline_mode<synchronous>, transform_indices = @transform_1, window_bounds = array<i64: 8, 1024>}, {pipeline_mode = #tpu.pipeline_mode<synchronous>, transform_indices = @transform_2, window_bounds = array<i64: 1, 8>}, {transform_indices = @transform_3, window_bounds = array<i64: 8, 2048>}]} {
    %get3A = arith.constant 0 : index
    %get3A_0 = arith.constant 0 : index
    %get3A_1 = vector.load %arg1[%get3A, %get3A_0] : memref<2048x1024xf32, #tpu.memory_space<vmem>>, vector<2048x1024xf32>
    %get3A_2 = arith.constant 0 : index
    %get3A_3 = arith.constant 0 : index
    %get3A_4 = vector.load %arg2[%get3A_2, %get3A_3] : memref<8x1024xf32, #tpu.memory_space<vmem>>, vector<8x1024xf32>
    %dot_general3A = arith.constant dense<0.000000e+00> : vector<2048x8xf32>
    %dot_general3A_5 = tpu.matmul %get3A_1, %get3A_4, %dot_general3A {dimension_numbers = #tpu.dot_dimension_numbers<[1], [1], [0], [0], [0, 0, 1, 0], [], []>, transpose_lhs_hint = false} : vector<2048x1024xf32>, vector<8x1024xf32>, vector<2048x8xf32> -> vector<2048x8xf32>
    %transpose3A = tpu.transpose %dot_general3A_5, [1, 0] : vector<2048x8xf32> -> vector<8x2048xf32>
    %get3A_6 = arith.constant 0 : index
    %get3A_7 = arith.constant 0 : index
    %get3A_8 = vector.load %arg3[%get3A_6, %get3A_7] : memref<1x8xf32, #tpu.memory_space<vmem>>, vector<1x8xf32>
    %transpose3A_9 = tpu.transpose %get3A_8, [1, 0] : vector<1x8xf32> -> vector<8x1xf32>
    %add3A = vector.broadcast %transpose3A_9 : vector<8x1xf32> to vector<8x2048xf32>
    %add3A_10 = arith.addf %transpose3A, %add3A : vector<8x2048xf32>
    %swap3A = arith.constant 0 : index
    %swap3A_11 = arith.constant 0 : index
    %swap3A_12 = vector.load %arg4[%swap3A, %swap3A_11] : memref<8x2048xf32, #tpu.memory_space<vmem>>, vector<8x2048xf32>
    tpu.vector_store %arg4[%swap3A, %swap3A_11], %add3A_10 {strides = array<i32>} : memref<8x2048xf32, #tpu.memory_space<vmem>>, vector<8x2048xf32>,
    return
  }
  func.func @transform_0(%arg0: i32) -> (i32, i32) {
    %c0_i32 = arith.constant 0 : i32
    %c0_i32_0 = arith.constant 0 : i32
    return %arg0, %c0_i32 : i32, i32
  }
  func.func @transform_1(%arg0: i32) -> (i32, i32) {
    %c0_i32 = arith.constant 0 : i32
    %c0_i32_0 = arith.constant 0 : i32
    %c0_i32_1 = arith.constant 0 : i32
    return %c0_i32, %c0_i32_0 : i32, i32
  }
  func.func @transform_2(%arg0: i32) -> (i32, i32) {
    %c0_i32 = arith.constant 0 : i32
    %c0_i32_0 = arith.constant 0 : i32
    %c0_i32_1 = arith.constant 0 : i32
    return %c0_i32, %c0_i32_0 : i32, i32
  }
  func.func @transform_3(%arg0: i32) -> (i32, i32) {
    %c0_i32 = arith.constant 0 : i32
    %c0_i32_0 = arith.constant 0 : i32
    return %c0_i32, %arg0 : i32, i32
  }
}

</mosaic_0001>

<sc_bundles>
// kernel: kernel.4.cloned.1.call-start
scs
__scs_entry_jumppad:
0x0: {  	(pc) =	sbr.rel $0x88, $3  }
0x1: {  	(tag) =	ssettag $0x0;
	lr =	simm.s32 $0x1  }
0x2: {  	[smem:$0x3F9E] =	sst lr;
	_ =	strace $0xD0000000  }
0x3: {  	_ = 	snop  }
0x4: {  	_ = 	snop  }
0x5: {  	_ = 	snop  }
0x6: {  	_ = 	snop  }
0x7: {  	_ = 	snop  }
__scs_overlays_trampoline_lowered:
0x8: {  	[smem:$0x3FAD] =	sst s0  }
0x9: {  	[smem:$0x3FAE] =	sst s1  }
0xa: {  	[smem:$0x3FAF] =	sst s2  }
0xb: {  	[smem:$0x3FB0] =	sst s3  }
0xc: {  	[smem:$0x3FB1] =	sst s4  }
0xd: {  	[smem:$0x3FB2] =	sst s5  }
0xe: {  	[smem:$0x3FB3] =	sst s6  }
0xf: {  	[smem:$0x3FB4] =	sst s7  }
0x10: {  	[smem:$0x3FB5] =	sst s8  }
0x11: {  	[smem:$0x3FB6] =	sst s9;
	s0 =	simm.s32 @!p0 $0x0  }
0x12: {  	s1 =	sld [smem:$0x3F9C];
	s0 =	simm.s32 @p0 $0x1  }
0x13: {  	[smem:$0x3FB7] =	sst s0;
	s0 =	simm.s32 @!p1 $0x0  }
0x14: {  	s2 =	sld [smem:$0x3F9B];
	s0 =	simm.s32 @p1 $0x1  }
0x15: {  	[smem:$0x3FB8] =	sst s0;
	s0 =	simm.s32 @!p2 $0x0  }
0x16: {  	s3 =	sld [smem:$0x3FDB];
	s0 =	simm.s32 @p2 $0x1  }
0x17: {  	s4 =	simm.s32 $0x1BF5;
	[smem:$0x3FBA] =	sst s0  }
0x18: {  	s0 =	sld [smem:$0x3F9D];
	_ =	swait.ge [sflag:s4], $0x0  }
0x19: {  	s7 =	sld [smem:$0x3F9E]  }
0x1a: {  	s8 =	sadd.s32 $0xFFFFE003, lr  }
0x1b: {  	s9 =	sadd.s32 $0xFFFFFEF7, lr;
	s5 =	simm.s32 $0xFFFFFFFF;
	p2 =	slt.u32 s8, $0xFFFFF086  }
0x1c: {  	p1 =	slt.u32 s9, $0xF7A;
	s5 =	simm.s32 @!p2 $0x0  }
0x1d: {  	s5 =	simm.s32 @p1 $0x1;
	p0 =	seq.s32 s7, s2  }
0x1e: {  	s7 =	smul.u32 @!p0 $0xF7A, s2;
	p2 =	seq.s32 @!p0 s5, $0x0  }
0x1f: {  	s9 =	smul.u32 $0xF7A, s1;
	s8 =	simm.s32 @!p0 $0x1BF5;
	p2 =	por !p2, p0  }
0x20: {  	[sflag:s8] =	ssyncset.s32 @!p0 $0xFFFFF086;
	s6 =	sadd.s32 @!p0 s3, s7;
	s7 =	simm.s32 @!p0 $0x108  }
0x21: {  	s3 =	sadd.s32 s3, s9;
	s6 =	sadd.s32 @!p0 $0x88, s6;
	s7 =	simm.s32 @p2 $0x1082  }
0x22: {  	[simem:s7], [sflag:s8] =	dma.local @!p0 [hbm:s6], $0xF7A  }
0x23: {  	s9 =	sor.u32 $0xD0000000, s2;
	s6 =	simm.s32 $0x108;
	_ =	swait.ge @!p0 [sflag:s8], $0x0  }
0x24: {  	s3 =	sadd.s32 $0x88, s3;
	s6 =	simm.s32 @!p1 $0x1082;
	[sflag:s4] =	ssyncset.s32 $0xFFFFF086  }
0x25: {  	[simem:s6], [sflag:s4] =	dma.local [hbm:s3], $0xF7A  }
0x26: {  	[smem:$0x3F9E] =	sst s1;
	(tag) =	ssettag s2;
	_ =	strace s9  }
0x27: {  	s1 =	sld [smem:$0x3FAE]  }
0x28: {  	s2 =	sld [smem:$0x3FAF]  }
0x29: {  	s4 =	sld [smem:$0x3FB1]  }
0x2a: {  	p0 =	seq.s32 s5, $0x0;
	s5 =	sld [smem:$0x3FB2]  }
0x2b: {  	s6 =	sld [smem:$0x3FB3]  }
0x2c: {  	s7 =	sld [smem:$0x3FB4]  }
0x2d: {  	s3 =	simm.s32 $0x108;
	s8 =	sld [smem:$0x3FB5]  }
0x2e: {  	s3 =	simm.s32 @!p0 $0x1082;
	s9 =	sld [smem:$0x3FB6]  }
0x2f: {  	lr =	sadd.s32 s0, s3;
	s0 =	sld [smem:$0x3FAD]  }
0x30: {  	s3 =	sld [smem:$0x3FB0]  }
0x31: {  	[smem:$0x3FB9] =	sst s10  }
0x32: {  	s10 =	sld [smem:$0x3FB7];
	_ =	sdelay $0x3  }
0x33: {  	p0 =	seq.s32 s10, $0x1;
	s10 =	sld [smem:$0x3FB9];
	_ =	sdelay $0x3  }
0x34: {  	[smem:$0x3FB9] =	sst s10  }
0x35: {  	s10 =	sld [smem:$0x3FB8];
	_ =	sdelay $0x3  }
0x36: {  	p1 =	seq.s32 s10, $0x1;
	s10 =	sld [smem:$0x3FB9];
	_ =	sdelay $0x3  }
0x37: {  	[smem:$0x3FB9] =	sst s10  }
0x38: {  	s10 =	sld [smem:$0x3FBA]  }
0x39: {  	_ = 	snop;
	(pc) =	sbr.ind lr, $3  }
0x3a: {  	_ = 	snop  }
0x3b: {  	_ = 	snop  }
0x3c: {  	p2 =	seq.s32 s10, $0x1;
	s10 =	sld [smem:$0x3FB9]  }
0x3d: {  	_ =	shalt  }
0x3e: {  	_ =	shalt  }
0x3f: {  	_ =	shalt  }
0x40: {  	_ =	shalt  }
0x41: {  	_ =	shalt  }
0x42: {  	_ =	shalt  }
0x43: {  	_ =	shalt  }
0x44: {  	_ =	shalt  }
0x45: {  	_ =	shalt  }
0x46: {  	_ =	shalt  }
0x47: {  	_ =	shalt  }
0x48: {  	_ =	shalt  }
0x49: {  	_ =	shalt  }
0x4a: {  	_ =	shalt  }
0x4b: {  	_ =	shalt  }
0x4c: {  	_ =	shalt  }
0x4d: {  	_ =	shalt  }
0x4e: {  	_ =	shalt  }
0x4f: {  	_ =	shalt  }
0x50: {  	_ =	shalt  }
0x51: {  	_ =	shalt  }
0x52: {  	_ =	shalt  }
0x53: {  	_ =	shalt  }
0x54: {  	_ =	shalt  }
0x55: {  	_ =	shalt  }
0x56: {  	_ =	shalt  }
0x57: {  	_ =	shalt  }
0x58: {  	_ =	shalt  }
0x59: {  	_ =	shalt  }
0x5a: {  	_ =	shalt  }
0x5b: {  	_ =	shalt  }
0x5c: {  	_ =	shalt  }
0x5d: {  	_ =	shalt  }
0x5e: {  	_ =	shalt  }
0x5f: {  	_ =	shalt  }
0x60: {  	_ =	shalt  }
0x61: {  	_ =	shalt  }
0x62: {  	_ =	shalt  }
0x63: {  	_ =	shalt  }
0x64: {  	_ =	shalt  }
0x65: {  	_ =	shalt  }
0x66: {  	_ =	shalt  }
0x67: {  	_ =	shalt  }
0x68: {  	_ =	shalt  }
0x69: {  	_ =	shalt  }
0x6a: {  	_ =	shalt  }
0x6b: {  	_ =	shalt  }
0x6c: {  	_ =	shalt  }
0x6d: {  	_ =	shalt  }
0x6e: {  	_ =	shalt  }
0x6f: {  	_ =	shalt  }
0x70: {  	_ =	shalt  }
0x71: {  	_ =	shalt  }
0x72: {  	_ =	shalt  }
0x73: {  	_ =	shalt  }
0x74: {  	_ =	shalt  }
0x75: {  	_ =	shalt  }
0x76: {  	_ =	shalt  }
0x77: {  	_ =	shalt  }
0x78: {  	_ =	shalt  }
0x79: {  	_ =	shalt  }
0x7a: {  	_ =	shalt  }
0x7b: {  	_ =	shalt  }
0x7c: {  	_ =	shalt  }
0x7d: {  	_ =	shalt  }
0x7e: {  	_ =	shalt  }
0x7f: {  	_ =	shalt  }
0x80: {  	_ =	shalt  }
0x81: {  	_ =	shalt  }
0x82: {  	_ =	shalt  }
0x83: {  	_ =	shalt  }
0x84: {  	_ =	shalt  }
0x85: {  	_ =	shalt  }
0x86: {  	_ =	shalt  }
0x87: {  	_ =	shalt  }
.Lfunc_end0:
.L_simem_size_0:
called_computation_lowered:
.L_overlay_start_0:
0x88: {  	s2 =	sld [smem:$0x3FD9]  }
0x89: {  	s3 =	sld [smem:$0x3FFE];
	_ =	sdelay $0x1  }
0x8a: {  	s1 =	srdreg.scid  }
0x8b: {  	s0 =	sand.u32 $0x1, s1  }
0x8c: {  	s14 =	sshll.u32 s0, $0xA;
	s2 =	sadd.s32 s3, s2  }
0x8d: {  	s2 =	sadd.s32 s2, s14  }
0x8e: {  	[smem:$0x3FC5] =	sst s2  }
0x8f: {  	_ = 	snop  }
0x90: {  	s2 =	sld [smem:$0x3FD0];
	_ =	sdelay $0x2  }
0x91: {  	s15 =	simm.s32 $0xA;
	s4 =	simm.s32 $0x10  }
0x92: {  	[smem:s4], [sflag:s15] =	dma.local [hbm:s2], $0x1  }
0x93: {  	_ =	swait.eq [sflag:s15], $0x1  }
0x94: {  	[sflag:s15] =	ssyncset.done $0x0  }
0x95: {  	s16 =	sld [smem:$0x10];
	[sflag:s15] =	ssyncadd.s32 $0xFFFFFFFF  }
0x96: {  	s17 =	sld [smem:$0x11];
	(tm) =	ssettm $0x1  }
0x97: {  	s18 =	sld [smem:$0x3FFB];
	_ =	sdelay $0x3  }
0x98: {  	_ =	strace s18  }
0x99: {  	s4 =	sld [smem:$0x3FFC];
	_ =	sdelay $0x3  }
0x9a: {  	_ =	strace s4  }
0x9b: {  	s4 =	sld [smem:$0x3FFD];
	_ =	sdelay $0x3  }
0x9c: {  	_ =	strace s4  }
0x9d: {  	_ =	strace $0x8FFFFFFF  }
0x9e: {  	s19 =	sld [smem:$0x3FDB];
	_ =	sdelay $0x1  }
0x9f: {  	s5 =	simm.s32 $_scs_section_size  }
0xa0: {  	s6 =	simm.s32 $_size__tile_overlayer_lowered;
	s7 =	simm.s32 $_tile_overlayer_lowered  }
0xa1: {  	s22 =	simm.s32 $0x1BFF;
	s21 =	sshll.u32 s7, $0x1;
	s4 =	sadd.s32 s5, s19  }
0xa2: {  	s8 =	simm.s32 $0x0;
	s20 =	sshll.u32 s6, $0x1;
	s6 =	sadd.s32 s21, s4  }
0xa3: {  	[timem:s8], [sflag:s22] =	dma.local [hbm:s6], s20  }
0xa4: {  	_ =	swait.ge [sflag:s22], s20  }
0xa5: {  	s5 =	ssub.s32 $0x0, s20;
	[sflag:s22] =	ssyncset.done $0x0  }
0xa6: {  	[sflag:s22] =	ssyncadd.s32 s5;
	_ =	sdelay $0x1  }
0xa7: {  	s23 =	simm.s32 $0x1B8B  }
0xa8: {  	_ =	swait.ge [sflag:s23], $0x1  }
0xa9: {  	[sflag:s23] =	ssyncset.done $0x0  }
0xaa: {  	s25 =	simm.s32 $0x1B8E;
	s24 =	sld [smem:$0x3FFE];
	[sflag:s23] =	ssyncadd.s32 $0xFFFFFFFF  }
0xab: {  	s26 =	simm.s32 $execute0_lowered;
	[smem:$0x3FD2] =	sst s25  }
0xac: {  	s6 =	sshll.u32 s26, $0x1;
	_ =	strace $0x80000046;
	[dreg:$0x1] =	wrdreg $0xFFFFFFFF  }
0xad: {  	s28 =	simm.s32 $_size_execute0_lowered;
	s4 =	sadd.s32 s4, s6;
	[dreg:$0x0] =	wrdreg $0x0  }
0xae: {  	s6 =	sshll.u32 s28, $0x1;
	[dreg:$0x2] =	wrdreg s4  }
0xaf: {  	[dreg:$0x3] =	wrdreg s6  }
0xb0: {  	[dreg:$0x4] =	wrdreg $0xC0  }
0xb1: {  	_ =	task [dreg:s8], $0x5FFFF  }
0xb2: {  	[dreg:$0x1] =	wrdreg $0xFFFFFFFF  }
0xb3: {  	[dreg:$0x0] =	wrdreg $0x60  }
0xb4: {  	[dreg:$0x2] =	wrdreg s24  }
0xb5: {  	[dreg:$0x3] =	wrdreg s17  }
0xb6: {  	[dreg:$0x4] =	wrdreg s16  }
0xb7: {  	[dreg:$0x5] =	wrdreg $0x9  }
0xb8: {  	_ =	task.clear_ibuf [dreg:s8], $0x6FFFF;
	_ =	strace $0x90000046  }
0xb9: {  	s29 =	simm.s32 $0x9;
	_ =	strace $0x80000048  }
0xba: {  	_ =	swait.ge [sflag:s29], $0x1  }
0xbb: {  	[sflag:s29] =	ssyncadd.s32 $0xFFFFFFFF  }
0xbc: {  	_ =	strace $0x90000048  }
0xbd: {  	_ =	sfence  }
0xbe: {  	s30 =	sld [smem:$0x0];
	_ =	sdelay $0x2  }
0xbf: {  	s31 =	sshll.u32 s1, $0xD;
	s1 =	sshrl.u32 s1, $0x2  }
0xc0: {  	s3 =	sand.u32 $0x4000, s31;
	s1 =	sadd.s32 s1, s30  }
0xc1: {  	s0 =	sor.u32 s3, s0;
	s1 =	sshll.u32 s1, $0x11  }
0xc2: {  	s0 =	sor.u32 s1, s0  }
0xc3: {  	s0 =	sadd.s32 $0x8F2B, s0  }
0xc4: {  	[sflag:s0] =	ssyncadd.remote.s32 $0x1  }
0xc5: {  	_ =	sfence.sel $0xFFFF  }
0xc6: {  	[dreg:$0x0] =	wrdreg $0xFFFFFFFF;
	(pc) =	sbr.abs _section_cstart, $3  }
0xc7: {  	[dreg:$0x1] =	wrdreg $0xFFFFFFFF  }
0xc8: {  	_ =	task.clear_ibuf [dreg:s8], $0x2FFFF;
	_ =	strace $0x9FFFFFFF  }
0xc9: {  	(tm) =	ssettm $0x7FFFFFFF  }
tec
execute0_lowered:
.L_overlay_start_1:
0x0: {  	(tag) =	ssettag $0x1  }
0x1: {  	s3 =	rddreg [dreg:$0x0]  }
0x2: {  	s4 =	rddreg [dreg:$0x1]  }
0x3: {  	s6 =	rddreg [dreg:$0x2]  }
0x4: {  	s0 =	rddreg [dreg:$0x3]  }
0x5: {  	s5 =	srdreg.scid;
	s1 =	stileid.u32  }
0x6: {  	s2 =	simm.s32 $0x0;
	s5 =	sand.u32 $0x1, s5;
	s7 =	sshll.u32 s1, $0x1  }
0x7: {  	s12 =	simm.s32 $0x0;
	[smem:$0x7FF] =	sst s2;
	s7 =	sor.u32 s5, s7  }
0x8: {  	_ =	strace $0x80000047;
	s5 =	ssub.s32 $0x2, s5;
	s8 =	sshll.u32 s7, $0xA  }
0x9: {  	s9 =	sshll.u32 s7, $0x8;
	s31 =	sshrl.u32 s5, $0x1;
	s7 =	sshll.u32 s7, $0x6  }
0xa: {  	v0 =	vlaneseq.u32;
	s8 =	sadd.s32 s8, s3;
	s10 =	sadd.s32 s9, s3;
	s11 =	ssub.s32 s5, s31  }
0xb: {  	v0 =	vmul.u32 $0x2, v0;
	s4 =	sadd.s32 s4, s9;
	s6 =	sadd.s32 s6, s7;
	s9 =	simm.s32 $0x2000  }
0xc: {  	s3 =	sadd.s32 $0xC00, s8;
	s5 =	sadd.s32 $0x8C00, s10;
	s7 =	smax.u32 s11, $0x1  }
0xd: {  	v1 =	vimm.s32 $0x0;
	v2 =	vor.u32 $0x1, v0;
	s8 =	simm.s32 $0x1;
	s10 =	simm.s32 $0x2800;
	s11 =	simm.s32 $0x3000  }
.LBB2_1:
0xe: {  	[tilespmem:s2], [sflag:$0x1] =	stream.linear.gather [hbm4b:s3+s2], $0x2000, $0x38;
	[tilespmem:$0x3200] =	vst v63  }
0xf: {  	_ =	swait.ge [sflag:s8], $0x2000  }
0x10: {  	s13 =	sand.u32 $0x70, s2;
	s14 =	sand.u32 $0x1C00, s2;
	[sflag:s8] =	ssyncset.done $0x0  }
0x11: {  	s13 =	sor.u32 s13, s14;
	[sflag:s8] =	ssyncadd.s32 $0xFFFFE000  }
0x12: {  	v3 =	vld [tilespmem:s13+$0x0]  }
0x13: {  	v4 =	vld [tilespmem:s13+$0x80]  }
0x14: {  	v5 =	vld [tilespmem:s13+$0x100]  }
0x15: {  	v6 =	vld [tilespmem:s13+$0x180]  }
0x16: {  	v7 =	vld [tilespmem:s13+$0x200]  }
0x17: {  	s30 =	sor.u32 s2, s2;
	v8 =	vld [tilespmem:s13+$0x280]  }
0x18: {  	s31 =	sor.u32 $0x380, s30;
	v9 =	vld [tilespmem:s13+$0x300];
	v10 =	vmax.f32 v3, v4  }
0x19: {  	v11 =	vld [tilespmem:s31+$0x0];
	v10 =	vmax.f32 v10, v5  }
0x1a: {  	v10 =	vmax.f32 v10, v6  }
0x1b: {  	v10 =	vmax.f32 v10, v7  }
0x1c: {  	v10 =	vmax.f32 v10, v8  }
0x1d: {  	v10 =	vmax.f32 v10, v9  }
0x1e: {  	v10 =	vmax.f32 v10, v11  }
0x1f: {  	v3 =	vsub.f32 v3, v10  }
0x20: {  	v4 =	vsub.f32 v4, v10  }
0x21: {  	v3 =	vmul.f32 $1.442695020e+00, v3  }
0x22: {  	v5 =	vsub.f32 v5, v10;
	v4 =	vmul.f32 $1.442695020e+00, v4  }
0x23: {  	(erf) = vpow2.f32 v3  }
0x24: {  	v5 =	vmul.f32 $1.442695020e+00, v5;
	v3 =	vsub.f32 v6, v10;
	(erf) = vpow2.f32 v4  }
0x25: {  	v4 =	vsub.f32 v7, v10  }
0x26: {  	v3 =	vmul.f32 $1.442695020e+00, v3;
	(erf) = vpow2.f32 v5;
	v5 =	vsub.f32 v8, v10  }
0x27: {  	v4 =	vmul.f32 $1.442695020e+00, v4  }
0x28: {  	(erf) = vpow2.f32 v3;
	v5 =	vmul.f32 $1.442695020e+00, v5  }
0x29: {  	v3 =	vsub.f32 v9, v10  }
0x2a: {  	(erf) = vpow2.f32 v4  }
0x2b: {  	v4 =	vsub.f32 v11, v10;
	v3 =	vmul.f32 $1.442695020e+00, v3  }
0x2c: {  	(erf) = vpow2.f32 v5;
	v5 =	vpop (erf)  }
0x2d: {  	v4 =	vmul.f32 $1.442695020e+00, v4;
	v7 =	vpop (erf)  }
0x2e: {  	(erf) = vpow2.f32 v3;
	vm0 =	vgt.f32 v7, v5  }
0x2f: {  	v3 =	vpop (erf);
	v6 =	vsel vm0, v7, v5  }
0x30: {  	(erf) = vpow2.f32 v4;
	vm1 =	vgt.f32 v3, v6  }
0x31: {  	v4 =	vpop (erf);
	v6 =	vsel vm1, v3, v6  }
0x32: {  	vm2 =	vgt.f32 v4, v6  }
0x33: {  	v8 =	vpop (erf);
	v6 =	vsel vm2, v4, v6  }
0x34: {  	vm3 =	vgt.f32 v8, v6  }
0x35: {  	v9 =	vpop (erf);
	v6 =	vsel vm3, v8, v6  }
0x36: {  	v10 =	vsel vm0, $0x1, v1;
	vm8 =	vgt.f32 v9, v6  }
0x37: {  	v10 =	vsel vm1, $0x2, v10;
	v11 =	vpop (erf);
	v6 =	vsel vm8, v9, v6  }
0x38: {  	v10 =	vsel vm2, $0x3, v10;
	vm1 =	vgt.f32 v11, v6  }
0x39: {  	v10 =	vsel vm3, $0x4, v10;
	v12 =	vpop (erf);
	v13 =	vsel vm1, v11, v6  }
0x3a: {  	v6 =	vsel vm8, $0x5, v10;
	vm9 =	vgt.f32 v12, v13  }
0x3b: {  	v6 =	vsel vm1, $0x6, v6;
	vm0 =	vmneg vm9  }
0x3c: {  	v6 =	vnsel vm0, $0x7, v6  }
0x3d: {  	vm10 =	veq.s32 v6, $0x0;
	vm11 =	veq.s32 v6, $0x1  }
0x3e: {  	v10 =	vsel vm10, $0xFF800000, v5;
	v14 =	vsel vm11, $0xFF800000, v7  }
0x3f: {  	vm12 =	veq.s32 v6, $0x2;
	v5 =	vadd.f32 v7, v5;
	vm2 =	vgt.f32 v14, v10  }
0x40: {  	v7 =	vsel vm12, $0xFF800000, v3;
	v10 =	vsel vm2, v14, v10  }
0x41: {  	vm13 =	veq.s32 v6, $0x3;
	v3 =	vadd.f32 v5, v3;
	vm4 =	vgt.f32 v7, v10  }
0x42: {  	v5 =	vsel vm13, $0xFF800000, v4;
	v7 =	vsel vm4, v7, v10  }
0x43: {  	vm14 =	veq.s32 v6, $0x4;
	v3 =	vadd.f32 v3, v4;
	vm5 =	vgt.f32 v5, v7  }
0x44: {  	v4 =	vsel vm14, $0xFF800000, v8;
	v5 =	vsel vm5, v5, v7  }
0x45: {  	vm15 =	veq.s32 v6, $0x5;
	v3 =	vadd.f32 v3, v8;
	vm6 =	vgt.f32 v4, v5  }
0x46: {  	v7 =	vsel vm15, $0xFF800000, v9;
	v4 =	vsel vm6, v4, v5  }
0x47: {  	vm1 =	vmand vm1, vm0;
	v3 =	vadd.f32 v3, v9;
	vm3 =	vgt.f32 v7, v4  }
0x48: {  	v5 =	vsel vm1, $0xFF800000, v11;
	v4 =	vsel vm3, v7, v4  }
0x49: {  	v3 =	vadd.f32 v3, v11;
	vm1 =	vgt.f32 v5, v4  }
0x4a: {  	v7 =	vnsel vm0, $0xFF800000, v12;
	v4 =	vsel vm1, v5, v4  }
0x4b: {  	v3 =	vadd.f32 v3, v12;
	vm7 =	vgt.f32 v7, v4  }
0x4c: {  	v10 =	vsel vm0, v13, v12;
	v62 =	vsel vm7, v7, v4  }
0x4d: {  	v3 =	vmul.f32 $9.999999930e-09, v3;
	v4 =	vadd.f32 v62, v10;
	_ =	sdelay $0x1  }
0x4e: {  	v3 =	vadd.f32 v4, v3;
	_ =	sdelay $0x1  }
0x4f: {  	(erf) = vrcp.f32 v3  }
0x50: {  	v4 =	vsel vm2, $0x1, v1  }
0x51: {  	v3 =	vsel vm4, $0x2, v4  }
0x52: {  	v3 =	vsel vm5, $0x3, v3  }
0x53: {  	v3 =	vsel vm6, $0x4, v3  }
0x54: {  	v3 =	vsel vm3, $0x5, v3  }
0x55: {  	v3 =	vsel vm1, $0x6, v3  }
0x56: {  	v8 =	vor.u32 s2, v0;
	v7 =	vsel vm7, $0x7, v3;
	v3 =	vcvt.s32.f32 v6  }
0x57: {  	v9 =	vor.u32 s2, v2;
	v5 =	vimm.f32 $0.0e+00;
	v4 =	vcvt.s32.f32 v7  }
0x58: {  	v3 =	vadd.f32 v3, v5;
	v63 =	vpop (erf)  }
0x59: {  	s15 =	simm.s32 $0x0;
	s14 =	simm.s32 $0x0;
	s13 =	simm.s32 $0x10;
	v4 =	vadd.f32 v4, v5;
	v11 =	vmul.f32 v63, v10;
	v10 =	vmul.f32 v63, v62  }
.LBB2_2:
0x5a: {  	p0 =	sne.s32 s13, $0x3F0  }
0x5b: {  	s14 =	sadd.s32 $0x20, s14;
	s15 =	sadd.s32 $0x80, s15;
	s16 =	smov.u32 s13;
	[tilespmem:v8+s9+$0x0] =	vst.idx.msk $0xffff, v11;
	v5 =	vadd.f32 v11, v5  }
0x5c: {  	s13 =	sadd.s32 $0x10, s13;
	s17 =	sand.u32 $0x70, s16;
	s18 =	sand.u32 $0x1C00, s15;
	[tilespmem:v9+s9+$0x0] =	vst.idx.msk $0xffff, v10  }
0x5d: {  	s17 =	sor.u32 s17, s18;
	[tilespmem:v8+s10+$0x0] =	vst.idx.msk $0xffff, v6;
	v5 =	vadd.f32 v5, v10  }
0x5e: {  	[tilespmem:v9+s10+$0x0] =	vst.idx.msk $0xffff, v7  }
0x5f: {  	v6 =	vld [tilespmem:s17+$0x0]  }
0x60: {  	v7 =	vld [tilespmem:s17+$0x80]  }
0x61: {  	v8 =	vld [tilespmem:s17+$0x100]  }
0x62: {  	v9 =	vld [tilespmem:s17+$0x180]  }
0x63: {  	v10 =	vld [tilespmem:s17+$0x200]  }
0x64: {  	s16 =	sor.u32 s15, s16;
	v11 =	vld [tilespmem:s17+$0x280]  }
0x65: {  	s16 =	sor.u32 $0x380, s16;
	v12 =	vld [tilespmem:s17+$0x300];
	v13 =	vmax.f32 v6, v7  }
0x66: {  	v14 =	vld [tilespmem:s16+$0x0];
	v13 =	vmax.f32 v13, v8  }
0x67: {  	v13 =	vmax.f32 v13, v9  }
0x68: {  	v13 =	vmax.f32 v13, v10  }
0x69: {  	v13 =	vmax.f32 v13, v11  }
0x6a: {  	v13 =	vmax.f32 v13, v12  }
0x6b: {  	v13 =	vmax.f32 v13, v14  }
0x6c: {  	v6 =	vsub.f32 v6, v13;
	v7 =	vsub.f32 v7, v13  }
0x6d: {  	v8 =	vsub.f32 v8, v13;
	v9 =	vsub.f32 v9, v13  }
0x6e: {  	v10 =	vsub.f32 v10, v13;
	v6 =	vmul.f32 $1.442695020e+00, v6;
	v7 =	vmul.f32 $1.442695020e+00, v7  }
0x6f: {  	v11 =	vsub.f32 v11, v13;
	v8 =	vmul.f32 $1.442695020e+00, v8;
	v9 =	vmul.f32 $1.442695020e+00, v9  }
0x70: {  	v12 =	vsub.f32 v12, v13;
	v10 =	vmul.f32 $1.442695020e+00, v10;
	(erf) = vpow2.f32 v6  }
0x71: {  	v6 =	vmul.f32 $1.442695020e+00, v11;
	v11 =	vsub.f32 v14, v13;
	(erf) = vpow2.f32 v7  }
0x72: {  	v7 =	vmul.f32 $1.442695020e+00, v12;
	(erf) = vpow2.f32 v8  }
0x73: {  	v8 =	vmul.f32 $1.442695020e+00, v11  }
0x74: {  	(erf) = vpow2.f32 v9;
	_ =	sdelay $0x1  }
0x75: {  	(erf) = vpow2.f32 v10;
	_ =	sdelay $0x1  }
0x76: {  	(erf) = vpow2.f32 v6  }
0x77: {  	v9 =	vpop (erf)  }
0x78: {  	v10 =	vpop (erf);
	(erf) = vpow2.f32 v7  }
0x79: {  	v6 =	vadd.f32 v10, v9;
	vm0 =	vgt.f32 v10, v9;
	v7 =	vpop (erf)  }
0x7a: {  	v11 =	vsel vm0, v10, v9;
	(erf) = vpow2.f32 v8  }
0x7b: {  	v6 =	vadd.f32 v6, v7;
	vm1 =	vgt.f32 v7, v11;
	v8 =	vpop (erf)  }
0x7c: {  	v11 =	vsel vm1, v7, v11  }
0x7d: {  	v6 =	vadd.f32 v6, v8;
	vm2 =	vgt.f32 v8, v11;
	v12 =	vpop (erf)  }
0x7e: {  	v11 =	vsel vm2, v8, v11  }
0x7f: {  	v6 =	vadd.f32 v6, v12;
	vm3 =	vgt.f32 v12, v11;
	v13 =	vpop (erf)  }
0x80: {  	v14 =	vsel vm0, $0x1, v1;
	v11 =	vsel vm3, v12, v11  }
0x81: {  	v14 =	vsel vm1, $0x2, v14;
	v6 =	vadd.f32 v6, v13;
	vm0 =	vgt.f32 v13, v11;
	v15 =	vpop (erf)  }
0x82: {  	v14 =	vsel vm2, $0x3, v14;
	v11 =	vsel vm0, v13, v11  }
0x83: {  	v14 =	vsel vm3, $0x4, v14;
	v6 =	vadd.f32 v6, v15;
	vm1 =	vgt.f32 v15, v11;
	v16 =	vpop (erf)  }
0x84: {  	v14 =	vsel vm0, $0x5, v14;
	v11 =	vsel vm1, v15, v11  }
0x85: {  	v17 =	vadd.f32 v6, v16;
	v6 =	vsel vm1, $0x6, v14;
	vm0 =	vgt.f32 v16, v11  }
0x86: {  	vm0 =	vmneg vm0  }
0x87: {  	v11 =	vsel vm0, v11, v16;
	v6 =	vnsel vm0, $0x7, v6;
	vm1 =	vmand vm1, vm0  }
0x88: {  	vm2 =	veq.s32 v6, $0x0;
	vm3 =	veq.s32 v6, $0x1;
	vm4 =	veq.s32 v6, $0x2  }
0x89: {  	v9 =	vsel vm2, $0xFF800000, v9;
	v10 =	vsel vm3, $0xFF800000, v10;
	vm2 =	veq.s32 v6, $0x3  }
0x8a: {  	v7 =	vsel vm4, $0xFF800000, v7;
	vm3 =	veq.s32 v6, $0x4;
	vm4 =	vgt.f32 v10, v9  }
0x8b: {  	vm5 =	veq.s32 v6, $0x5;
	v9 =	vsel vm4, v10, v9;
	v10 =	vcvt.s32.f32 v6  }
0x8c: {  	v8 =	vsel vm2, $0xFF800000, v8;
	vm2 =	vgt.f32 v7, v9  }
0x8d: {  	v14 =	vsel vm4, $0x1, v1;
	v7 =	vsel vm2, v7, v9;
	v3 =	vadd.f32 v10, v3  }
0x8e: {  	v9 =	vsel vm3, $0xFF800000, v12;
	v10 =	vsel vm2, $0x2, v14;
	vm2 =	vgt.f32 v8, v7  }
0x8f: {  	v7 =	vsel vm2, v8, v7;
	v8 =	vsel vm2, $0x3, v10  }
0x90: {  	v10 =	vsel vm5, $0xFF800000, v13;
	vm2 =	vgt.f32 v9, v7  }
0x91: {  	v7 =	vsel vm2, v9, v7;
	v8 =	vsel vm2, $0x4, v8  }
0x92: {  	v9 =	vsel vm1, $0xFF800000, v15;
	vm1 =	vgt.f32 v10, v7  }
0x93: {  	v7 =	vsel vm1, v10, v7;
	v8 =	vsel vm1, $0x5, v8  }
0x94: {  	v10 =	vnsel vm0, $0xFF800000, v16;
	vm0 =	vgt.f32 v9, v7  }
0x95: {  	v7 =	vsel vm0, v9, v7;
	v8 =	vsel vm0, $0x6, v8  }
0x96: {  	vm0 =	vgt.f32 v10, v7  }
0x97: {  	v10 =	vsel vm0, v10, v7;
	v7 =	vsel vm0, $0x7, v8;
	v8 =	vmul.f32 $9.999999930e-09, v17  }
0x98: {  	v9 =	vadd.f32 v10, v11;
	v12 =	vcvt.s32.f32 v7;
	_ =	sdelay $0x1  }
0x99: {  	v8 =	vadd.f32 v9, v8;
	v4 =	vadd.f32 v12, v4;
	_ =	sdelay $0x1  }
0x9a: {  	(erf) = vrcp.f32 v8;
	_ =	sdelay $0x5  }
.Ltmp0:
0x9b: {  	v8 =	vor.u32 s14, v0;
	(pc) =	sbr.rel @p0 .LBB2_2-.Ltmp0, $3  }
0x9c: {  	v9 =	vor.u32 s14, v2;
	_ =	sdelay $0x1  }
0x9d: {  	v12 =	vpop (erf)  }
0x9e: {  	v11 =	vmul.f32 v12, v11;
	v10 =	vmul.f32 v12, v10  }
0x9f: {  	_ =	sdelay $0x3  }
0xa0: {  	[tilespmem:v8+s9+$0x0] =	vst.idx.msk $0xffff, v11  }
0xa1: {  	[tilespmem:v9+s9+$0x0] =	vst.idx.msk $0xffff, v10  }
0xa2: {  	v5 =	vadd.f32 v11, v5;
	[tilespmem:v8+s10+$0x0] =	vst.idx.msk $0xffff, v6  }
0xa3: {  	[tilespmem:v9+s10+$0x0] =	vst.idx.msk $0xffff, v7  }
0xa4: {  	v5 =	vadd.f32 v5, v10;
	[tilespmem:$0x3000] =	vst v3  }
0xa5: {  	[tilespmem:$0x3080] =	vst v4  }
0xa6: {  	[tilespmem:$0x3100] =	vst v5  }
0xa7: {  	[hbm4b:s4+s2] =	stream.linear.scatter [tilespmem:s9], [sflag:$0x1], $0x800, $0x38;
	[tilespmem:$0x3200] =	vst v63  }
0xa8: {  	_ =	swait.ge [sflag:s8], $0x800  }
0xa9: {  	[sflag:s8] =	ssyncset.done $0x0  }
0xaa: {  	[sflag:s8] =	ssyncadd.s32 $0xFFFFF800  }
0xab: {  	[hbm4b:s5+s2] =	stream.linear.scatter [tilespmem:s10], [sflag:$0x1], $0x800, $0x38;
	[tilespmem:$0x3200] =	vst v63  }
0xac: {  	s12 =	sadd.s32 $0x1, s12;
	_ =	swait.ge [sflag:s8], $0x800  }
0xad: {  	p0 =	sne.s32 s12, s7;
	[sflag:s8] =	ssyncset.done $0x0  }
.Ltmp1:
0xae: {  	[sflag:s8] =	ssyncadd.s32 $0xFFFFF800;
	(pc) =	sbr.rel @p0 .LBB2_1-.Ltmp1, $4  }
0xaf: {  	[hbm4b:s6+s2] =	stream.linear.scatter [tilespmem:s11], [sflag:$0x1], $0x180, $0x38;
	[tilespmem:$0x3200] =	vst v63  }
0xb0: {  	_ =	swait.ge [sflag:s8], $0x180  }
0xb1: {  	[sflag:s8] =	ssyncset.done $0x0  }
0xb2: {  	[sflag:s8] =	ssyncadd.s32 $0xFFFFFE80  }
0xb3: {  	_ =	sfence.sel $0x180000  }
0xb4: {  	[bflag:$0x0] =	sbarrier.arrive $0xFFFF  }
0xb5: {  	p0 =	sne.s32 s1, $0x0;
	_ =	strace $0x90000047  }
0xb6: {  	s0 =	sadd.s32 @!p0 $0x100000, s0;
	[bflag:$0x2] =	sbarrier.arrive $0xFFFF  }
0xb7: {  	[sflag:s0] =	ssyncadd.tile.s32 @!p0 $0x1;
	_ =	shalt  }
.Lfunc_end2:
_tile_overlayer_lowered:
.L_overlay_start_2:
0xb8: {  	(tag) =	ssettag $0x2  }
0xb9: {  	s0 =	rddreg [dreg:$0x0];
	s2 =	stileid.u32  }
0xba: {  	s1 =	rddreg [dreg:$0x1];
	p0 =	sne.s32 s2, $0x0  }
0xbb: {  	s3 =	rddreg [dreg:$0x2];
	[bflag:$0x3] =	sbarrier.arrive $0xFFFF;
	s2 =	simm.s32 @!p0 $0x1C01  }
0xbc: {  	[timem:s3], [sflag:s2] =	dma.local @!p0 [hbm:s0], s1  }
0xbd: {  	s0 =	simm.s32 @!p0 $0x1  }
0xbe: {  	_ =	swait.ge @!p0 [sflag:s0], s1  }
0xbf: {  	s1 =	ssub.s32 @!p0 $0x0, s1;
	[sflag:s0] =	ssyncset.done @!p0 $0x0  }
0xc0: {  	[sflag:s0] =	ssyncadd.s32 @!p0 s1  }
0xc1: {  	[bflag:$0x3] =	sbarrier.arrive $0xFFFF  }
0xc2: {  	_ =	shalt  }

</sc_bundles>
